<compile_context>
chip_gen: v7x
topology: tpu7x:2x2x1
jax: 0.10.2.dev20260603
libtpu: 0.0.44.dev20260713+nightly
codegen_flags: <defaults>
</compile_context>

<pallas_src>
import functools

import jax
import jax.numpy as jnp
from jax import lax
from jax.experimental import pallas as pl
from jax.experimental.pallas import tpu as pltpu
from jax.experimental.pallas import tpu_sc as plsc


def _gather_t_call(w, idx, num_cores, num_subcores, lanes):
    D, B = w.shape
    NW = num_cores * num_subcores
    rows_per_w = D // NW
    n_vec = B // lanes

    mesh = plsc.VectorSubcoreMesh(core_axis_name="c", subcore_axis_name="s")

    @functools.partial(
        pl.kernel,
        mesh=mesh,
        out_type=jax.ShapeDtypeStruct((D, B), jnp.float32),
        compiler_params=pltpu.CompilerParams(needs_layout_passes=False),
        scratch_types=[
            pltpu.VMEM((B,), jnp.int32),
            [pltpu.VMEM((B,), jnp.float32) for _ in range(rows_per_w)],
            [pltpu.VMEM((B,), jnp.float32) for _ in range(rows_per_w)],
            pltpu.SemaphoreType.DMA,
            pltpu.SemaphoreType.DMA,
            pltpu.SemaphoreType.DMA,
        ],
    )
    def gather_kernel(w_hbm, idx_hbm, out_hbm, idx_v, rows_v, out_v,
                      isem, rsem, osem):
        wid = lax.axis_index("s") * num_cores + lax.axis_index("c")
        r0 = wid * rows_per_w
        copies = [pltpu.async_copy(idx_hbm, idx_v, isem)]
        for r in range(rows_per_w):
            copies.append(
                pltpu.async_copy(w_hbm.at[r0 + r], rows_v[r], rsem)
            )
        for c in copies:
            c.wait()

        n_chunks = 2
        vec_per_chunk = n_vec // n_chunks
        outs = []
        for c in range(n_chunks):
            @plsc.parallel_loop(
                c * vec_per_chunk, (c + 1) * vec_per_chunk, unroll=8
            )
            def body(k):
                col = pl.ds(k * lanes, lanes)
                iv = idx_v[col]
                for r in range(rows_per_w):
                    out_v[r][col] = plsc.load_gather(rows_v[r], [iv])

            cw = vec_per_chunk * lanes
            cols = pl.ds(c * cw, cw)
            for r in range(rows_per_w):
                outs.append(
                    pltpu.async_copy(
                        out_v[r].at[cols],
                        out_hbm.at[r0 + r, cols],
                        osem,
                    )
                )
        for oc in outs:
            oc.wait()

    return gather_kernel(w, idx)


def kernel(mem, val, indices):
    del mem
    info = plsc.get_sparse_core_info()
    idx = indices.astype(jnp.int32)
    out_t = _gather_t_call(
        val.T, idx, info.num_cores, info.num_subcores, info.num_lanes
    )
    return out_t.T

# --- scband reference (transcript-rebuilt; emitter-appended) ---
"""Pipeline reference for scband-data-buffer-68281390072227 (READ-ONLY COPY).

The authoritative reference and input builder live on the scoring server;
editing this copy changes nothing except your own understanding.
"""

import jax, jax.numpy as jnp
import numpy as np

CAPACITY = 1000000
BATCH = 16384
DIM = 64

def setup_inputs(seed: int = 0) -> dict:
    key = jax.random.key(seed)
    k1, k2 = jax.random.split(key, 2)
    mem = jnp.zeros((CAPACITY, DIM), dtype=jnp.float32)
    val = jax.random.normal(k1, (BATCH, DIM), dtype=jnp.float32)
    indices = jax.random.randint(k2, (BATCH,), 0, BATCH, dtype=jnp.int64)
    return {"mem": mem, "val": val, "indices": indices}

def reference(mem, val, indices):
    # Faithful translation of DataBuffer.add_batch followed by
    # DataBuffer.get_batch_by_indices, starting from an empty buffer.
    capacity = mem.shape[0]
    batch_size = val.shape[0]
    n = min(capacity, batch_size)
    current_pos = 0
    # add_batch: circular scatter-write of the last n items
    write_idx = (jnp.arange(current_pos, current_pos + n) % capacity)
    buf = mem.at[write_idx].set(val[-n:])
    new_pos = (current_pos + n) % capacity
    current_size = min(0 + n, capacity)
    # get_batch_by_indices: index 0 corresponds to the earliest sample
    adj = (indices + (new_pos - current_size)) % capacity
    result = buf[adj]
    return result

if __name__ == "__main__":
    import jax
    _d = setup_inputs()
    print(jax.jit(kernel)(*tuple(_d.values())))

</pallas_src>

<mosaic_0001>
#map = affine_map<(d0, d1) -> (0, 0)>
#map1 = affine_map<(d0, d1) -> (0)>
module attributes {stable_mosaic.version = 14 : i64} {
  func.func @gather_kernel(%arg0: i32, %arg1: i32, %arg2: memref<64x16384xf32, #tpu.memory_space<hbm>>, %arg3: memref<16384xi32, #tpu.memory_space<hbm>>, %arg4: memref<64x16384xf32, #tpu.memory_space<hbm>>, %arg5: memref<16384xi32, #tpu.memory_space<vmem>>, %arg6: memref<16384xf32, #tpu.memory_space<vmem>>, %arg7: memref<16384xf32, #tpu.memory_space<vmem>>, %arg8: memref<16384xf32, #tpu.memory_space<vmem>>, %arg9: memref<16384xf32, #tpu.memory_space<vmem>>, %arg10: memref<!tpu.dma_semaphore, #tpu.memory_space<semaphore_mem>>, %arg11: memref<!tpu.dma_semaphore, #tpu.memory_space<semaphore_mem>>, %arg12: memref<!tpu.dma_semaphore, #tpu.memory_space<semaphore_mem>>) attributes {dimension_semantics = [#tpu.dimension_semantics<core_parallel>, #tpu.dimension_semantics<subcore_parallel>], iteration_bounds = array<i64: 2, 16>, scalar_prefetch = 0 : i64, scratch_operands = 8 : i64, tpu.core_type = #tpu.core_type<sc_vector_subcore>, window_params = [{transform_indices = #map}, {transform_indices = #map1}, {transform_indices = #map}]} {
    %mul3A = arith.constant 2 : i32
    %mul3A_0 = arith.muli %arg1, %mul3A : i32
    %add3A = arith.addi %mul3A_0, %arg0 : i32
    %mul3A_1 = arith.constant 2 : i32
    %mul3A_2 = arith.muli %add3A, %mul3A_1 : i32
    tpu.enqueue_dma source(%arg3 : memref<16384xi32, #tpu.memory_space<hbm>>) target(%arg5 : memref<16384xi32, #tpu.memory_space<vmem>>) target_semaphore(%arg10 : memref<!tpu.dma_semaphore, #tpu.memory_space<semaphore_mem>>)
    %add3A_3 = arith.constant 0 : i32
    %add3A_4 = arith.addi %mul3A_2, %add3A_3 : i32
    %dma_start3A = arith.constant 0 : i32
    %dma_start3A_5 = tpu.memref_slice %arg2[%add3A_4, %dma_start3A] : memref<64x16384xf32, #tpu.memory_space<hbm>> -> memref<1x16384xf32, #tpu.memory_space<hbm>>
    %dma_start3A_6 = tpu.memref_squeeze %dma_start3A_5 : memref<1x16384xf32, #tpu.memory_space<hbm>> -> memref<16384xf32, #tpu.memory_space<hbm>>
    %dma_start3A_7 = arith.constant 0 : i32
    %dma_start3A_8 = tpu.memref_slice %arg2[%add3A_4, %dma_start3A_7] : memref<64x16384xf32, #tpu.memory_space<hbm>> -> memref<1x16384xf32, #tpu.memory_space<hbm>>
    %dma_start3A_9 = tpu.memref_squeeze %dma_start3A_8 : memref<1x16384xf32, #tpu.memory_space<hbm>> -> memref<16384xf32, #tpu.memory_space<hbm>>
    tpu.enqueue_dma source(%dma_start3A_9 : memref<16384xf32, #tpu.memory_space<hbm>>) target(%arg6 : memref<16384xf32, #tpu.memory_space<vmem>>) target_semaphore(%arg11 : memref<!tpu.dma_semaphore, #tpu.memory_space<semaphore_mem>>)
    %add3A_10 = arith.constant 1 : i32
    %add3A_11 = arith.addi %mul3A_2, %add3A_10 : i32
    %dma_start3A_12 = arith.constant 0 : i32
    %dma_start3A_13 = tpu.memref_slice %arg2[%add3A_11, %dma_start3A_12] : memref<64x16384xf32, #tpu.memory_space<hbm>> -> memref<1x16384xf32, #tpu.memory_space<hbm>>
    %dma_start3A_14 = tpu.memref_squeeze %dma_start3A_13 : memref<1x16384xf32, #tpu.memory_space<hbm>> -> memref<16384xf32, #tpu.memory_space<hbm>>
    %dma_start3A_15 = arith.constant 0 : i32
    %dma_start3A_16 = tpu.memref_slice %arg2[%add3A_11, %dma_start3A_15] : memref<64x16384xf32, #tpu.memory_space<hbm>> -> memref<1x16384xf32, #tpu.memory_space<hbm>>
    %dma_start3A_17 = tpu.memref_squeeze %dma_start3A_16 : memref<1x16384xf32, #tpu.memory_space<hbm>> -> memref<16384xf32, #tpu.memory_space<hbm>>
    tpu.enqueue_dma source(%dma_start3A_17 : memref<16384xf32, #tpu.memory_space<hbm>>) target(%arg7 : memref<16384xf32, #tpu.memory_space<vmem>>) target_semaphore(%arg11 : memref<!tpu.dma_semaphore, #tpu.memory_space<semaphore_mem>>)
    tpu.wait_dma2 semaphore(%arg10 : memref<!tpu.dma_semaphore, #tpu.memory_space<semaphore_mem>>) src(%arg3 : memref<16384xi32, #tpu.memory_space<hbm>>) dst(%arg5 : memref<16384xi32, #tpu.memory_space<vmem>>)
    %dma_wait3A = arith.constant 0 : i32
    %dma_wait3A_18 = tpu.memref_slice %arg2[%add3A_4, %dma_wait3A] : memref<64x16384xf32, #tpu.memory_space<hbm>> -> memref<1x16384xf32, #tpu.memory_space<hbm>>
    %dma_wait3A_19 = tpu.memref_squeeze %dma_wait3A_18 : memref<1x16384xf32, #tpu.memory_space<hbm>> -> memref<16384xf32, #tpu.memory_space<hbm>>
    %dma_wait3A_20 = arith.constant 0 : i32
    %dma_wait3A_21 = tpu.memref_slice %arg2[%add3A_4, %dma_wait3A_20] : memref<64x16384xf32, #tpu.memory_space<hbm>> -> memref<1x16384xf32, #tpu.memory_space<hbm>>
    %dma_wait3A_22 = tpu.memref_squeeze %dma_wait3A_21 : memref<1x16384xf32, #tpu.memory_space<hbm>> -> memref<16384xf32, #tpu.memory_space<hbm>>
    tpu.wait_dma2 semaphore(%arg11 : memref<!tpu.dma_semaphore, #tpu.memory_space<semaphore_mem>>) src(%dma_wait3A_22 : memref<16384xf32, #tpu.memory_space<hbm>>) dst(%arg6 : memref<16384xf32, #tpu.memory_space<vmem>>)
    %dma_wait3A_23 = arith.constant 0 : i32
    %dma_wait3A_24 = tpu.memref_slice %arg2[%add3A_11, %dma_wait3A_23] : memref<64x16384xf32, #tpu.memory_space<hbm>> -> memref<1x16384xf32, #tpu.memory_space<hbm>>
    %dma_wait3A_25 = tpu.memref_squeeze %dma_wait3A_24 : memref<1x16384xf32, #tpu.memory_space<hbm>> -> memref<16384xf32, #tpu.memory_space<hbm>>
    %dma_wait3A_26 = arith.constant 0 : i32
    %dma_wait3A_27 = tpu.memref_slice %arg2[%add3A_11, %dma_wait3A_26] : memref<64x16384xf32, #tpu.memory_space<hbm>> -> memref<1x16384xf32, #tpu.memory_space<hbm>>
    %dma_wait3A_28 = tpu.memref_squeeze %dma_wait3A_27 : memref<1x16384xf32, #tpu.memory_space<hbm>> -> memref<16384xf32, #tpu.memory_space<hbm>>
    tpu.wait_dma2 semaphore(%arg11 : memref<!tpu.dma_semaphore, #tpu.memory_space<semaphore_mem>>) src(%dma_wait3A_28 : memref<16384xf32, #tpu.memory_space<hbm>>) dst(%arg7 : memref<16384xf32, #tpu.memory_space<vmem>>)
    %parallel_loop3A = arith.constant 0 : i32
    %parallel_loop3A_29 = arith.constant 512 : i32
    %parallel_loop3A_30 = arith.constant 1 : i32
    scf.for %parallel_loop3A_122 = %parallel_loop3A to %parallel_loop3A_29 step %parallel_loop3A_30  : i32 {
      %parallel_loop3A_123 = arith.constant 16 : i32
      %parallel_loop3A_124 = arith.muli %parallel_loop3A_122, %parallel_loop3A_123 : i32
      %parallel_loop3A_125 = arith.index_cast %parallel_loop3A_124 : i32 to index
      %parallel_loop3A_126 = tpu.vector_load %arg5[%parallel_loop3A_125] {strides = array<i32>} : memref<16384xi32, #tpu.memory_space<vmem>>, vector<16xi32>,
      %parallel_loop3A_127 = tpu.vector_load_idx %arg6[%parallel_loop3A_126] : memref<16384xf32, #tpu.memory_space<vmem>>[vector<16xi32>], vector<16xf32>,
      %parallel_loop3A_128 = arith.index_cast %parallel_loop3A_124 : i32 to index
      %parallel_loop3A_129 = tpu.vector_load %arg8[%parallel_loop3A_128] {strides = array<i32>} : memref<16384xf32, #tpu.memory_space<vmem>>, vector<16xf32>,
      tpu.vector_store %arg8[%parallel_loop3A_128], %parallel_loop3A_127 {strides = array<i32>} : memref<16384xf32, #tpu.memory_space<vmem>>, vector<16xf32>,
      %parallel_loop3A_130 = tpu.vector_load_idx %arg7[%parallel_loop3A_126] : memref<16384xf32, #tpu.memory_space<vmem>>[vector<16xi32>], vector<16xf32>,
      %parallel_loop3A_131 = arith.index_cast %parallel_loop3A_124 : i32 to index
      %parallel_loop3A_132 = tpu.vector_load %arg9[%parallel_loop3A_131] {strides = array<i32>} : memref<16384xf32, #tpu.memory_space<vmem>>, vector<16xf32>,
      tpu.vector_store %arg9[%parallel_loop3A_131], %parallel_loop3A_130 {strides = array<i32>} : memref<16384xf32, #tpu.memory_space<vmem>>, vector<16xf32>,
    } {sc.loop_unroll_factor = 8 : i64, sc.parallel_access}
    %add3A_31 = arith.constant 0 : i32
    %add3A_32 = arith.addi %mul3A_2, %add3A_31 : i32
    %dma_start3A_33 = arith.constant 0 : i32
    %dma_start3A_34 = tpu.memref_slice %arg8[%dma_start3A_33] : memref<16384xf32, #tpu.memory_space<vmem>> -> memref<8192xf32, #tpu.memory_space<vmem>>
    %dma_start3A_35 = arith.constant 0 : i32
    %dma_start3A_36 = tpu.memref_slice %arg4[%add3A_32, %dma_start3A_35] : memref<64x16384xf32, #tpu.memory_space<hbm>> -> memref<1x8192xf32, #tpu.memory_space<hbm>>
    %dma_start3A_37 = tpu.memref_squeeze %dma_start3A_36 : memref<1x8192xf32, #tpu.memory_space<hbm>> -> memref<8192xf32, #tpu.memory_space<hbm>>
    %dma_start3A_38 = arith.constant 0 : i32
    %dma_start3A_39 = tpu.memref_slice %arg4[%add3A_32, %dma_start3A_38] : memref<64x16384xf32, #tpu.memory_space<hbm>> -> memref<1x8192xf32, #tpu.memory_space<hbm>>
    %dma_start3A_40 = tpu.memref_squeeze %dma_start3A_39 : memref<1x8192xf32, #tpu.memory_space<hbm>> -> memref<8192xf32, #tpu.memory_space<hbm>>
    %dma_start3A_41 = arith.constant 0 : i32
    %dma_start3A_42 = tpu.memref_slice %arg8[%dma_start3A_41] : memref<16384xf32, #tpu.memory_space<vmem>> -> memref<8192xf32, #tpu.memory_space<vmem>>
    tpu.enqueue_dma source(%dma_start3A_42 : memref<8192xf32, #tpu.memory_space<vmem>>) target(%dma_start3A_40 : memref<8192xf32, #tpu.memory_space<hbm>>) target_semaphore(%arg12 : memref<!tpu.dma_semaphore, #tpu.memory_space<semaphore_mem>>)
    %add3A_43 = arith.constant 1 : i32
    %add3A_44 = arith.addi %mul3A_2, %add3A_43 : i32
    %dma_start3A_45 = arith.constant 0 : i32
    %dma_start3A_46 = tpu.memref_slice %arg9[%dma_start3A_45] : memref<16384xf32, #tpu.memory_space<vmem>> -> memref<8192xf32, #tpu.memory_space<vmem>>
    %dma_start3A_47 = arith.constant 0 : i32
    %dma_start3A_48 = tpu.memref_slice %arg4[%add3A_44, %dma_start3A_47] : memref<64x16384xf32, #tpu.memory_space<hbm>> -> memref<1x8192xf32, #tpu.memory_space<hbm>>
    %dma_start3A_49 = tpu.memref_squeeze %dma_start3A_48 : memref<1x8192xf32, #tpu.memory_space<hbm>> -> memref<8192xf32, #tpu.memory_space<hbm>>
    %dma_start3A_50 = arith.constant 0 : i32
    %dma_start3A_51 = tpu.memref_slice %arg4[%add3A_44, %dma_start3A_50] : memref<64x16384xf32, #tpu.memory_space<hbm>> -> memref<1x8192xf32, #tpu.memory_space<hbm>>
    %dma_start3A_52 = tpu.memref_squeeze %dma_start3A_51 : memref<1x8192xf32, #tpu.memory_space<hbm>> -> memref<8192xf32, #tpu.memory_space<hbm>>
    %dma_start3A_53 = arith.constant 0 : i32
    %dma_start3A_54 = tpu.memref_slice %arg9[%dma_start3A_53] : memref<16384xf32, #tpu.memory_space<vmem>> -> memref<8192xf32, #tpu.memory_space<vmem>>
    tpu.enqueue_dma source(%dma_start3A_54 : memref<8192xf32, #tpu.memory_space<vmem>>) target(%dma_start3A_52 : memref<8192xf32, #tpu.memory_space<hbm>>) target_semaphore(%arg12 : memref<!tpu.dma_semaphore, #tpu.memory_space<semaphore_mem>>)
    %parallel_loop3A_55 = arith.constant 512 : i32
    %parallel_loop3A_56 = arith.constant 1024 : i32
    %parallel_loop3A_57 = arith.constant 1 : i32
    scf.for %parallel_loop3A_122 = %parallel_loop3A_55 to %parallel_loop3A_56 step %parallel_loop3A_57  : i32 {
      %parallel_loop3A_123 = arith.constant 16 : i32
      %parallel_loop3A_124 = arith.muli %parallel_loop3A_122, %parallel_loop3A_123 : i32
      %parallel_loop3A_125 = arith.index_cast %parallel_loop3A_124 : i32 to index
      %parallel_loop3A_126 = tpu.vector_load %arg5[%parallel_loop3A_125] {strides = array<i32>} : memref<16384xi32, #tpu.memory_space<vmem>>, vector<16xi32>,
      %parallel_loop3A_127 = tpu.vector_load_idx %arg6[%parallel_loop3A_126] : memref<16384xf32, #tpu.memory_space<vmem>>[vector<16xi32>], vector<16xf32>,
      %parallel_loop3A_128 = arith.index_cast %parallel_loop3A_124 : i32 to index
      %parallel_loop3A_129 = tpu.vector_load %arg8[%parallel_loop3A_128] {strides = array<i32>} : memref<16384xf32, #tpu.memory_space<vmem>>, vector<16xf32>,
      tpu.vector_store %arg8[%parallel_loop3A_128], %parallel_loop3A_127 {strides = array<i32>} : memref<16384xf32, #tpu.memory_space<vmem>>, vector<16xf32>,
      %parallel_loop3A_130 = tpu.vector_load_idx %arg7[%parallel_loop3A_126] : memref<16384xf32, #tpu.memory_space<vmem>>[vector<16xi32>], vector<16xf32>,
      %parallel_loop3A_131 = arith.index_cast %parallel_loop3A_124 : i32 to index
      %parallel_loop3A_132 = tpu.vector_load %arg9[%parallel_loop3A_131] {strides = array<i32>} : memref<16384xf32, #tpu.memory_space<vmem>>, vector<16xf32>,
      tpu.vector_store %arg9[%parallel_loop3A_131], %parallel_loop3A_130 {strides = array<i32>} : memref<16384xf32, #tpu.memory_space<vmem>>, vector<16xf32>,
    } {sc.loop_unroll_factor = 8 : i64, sc.parallel_access}
    %add3A_58 = arith.constant 0 : i32
    %add3A_59 = arith.addi %mul3A_2, %add3A_58 : i32
    %dma_start3A_60 = arith.constant 8192 : i32
    %dma_start3A_61 = tpu.memref_slice %arg8[%dma_start3A_60] : memref<16384xf32, #tpu.memory_space<vmem>> -> memref<8192xf32, #tpu.memory_space<vmem>>
    %dma_start3A_62 = arith.constant 8192 : i32
    %dma_start3A_63 = tpu.memref_slice %arg4[%add3A_59, %dma_start3A_62] : memref<64x16384xf32, #tpu.memory_space<hbm>> -> memref<1x8192xf32, #tpu.memory_space<hbm>>
    %dma_start3A_64 = tpu.memref_squeeze %dma_start3A_63 : memref<1x8192xf32, #tpu.memory_space<hbm>> -> memref<8192xf32, #tpu.memory_space<hbm>>
    %dma_start3A_65 = arith.constant 8192 : i32
    %dma_start3A_66 = tpu.memref_slice %arg4[%add3A_59, %dma_start3A_65] : memref<64x16384xf32, #tpu.memory_space<hbm>> -> memref<1x8192xf32, #tpu.memory_space<hbm>>
    %dma_start3A_67 = tpu.memref_squeeze %dma_start3A_66 : memref<1x8192xf32, #tpu.memory_space<hbm>> -> memref<8192xf32, #tpu.memory_space<hbm>>
    %dma_start3A_68 = arith.constant 8192 : i32
    %dma_start3A_69 = tpu.memref_slice %arg8[%dma_start3A_68] : memref<16384xf32, #tpu.memory_space<vmem>> -> memref<8192xf32, #tpu.memory_space<vmem>>
    tpu.enqueue_dma source(%dma_start3A_69 : memref<8192xf32, #tpu.memory_space<vmem>>) target(%dma_start3A_67 : memref<8192xf32, #tpu.memory_space<hbm>>) target_semaphore(%arg12 : memref<!tpu.dma_semaphore, #tpu.memory_space<semaphore_mem>>)
    %add3A_70 = arith.constant 1 : i32
    %add3A_71 = arith.addi %mul3A_2, %add3A_70 : i32
    %dma_start3A_72 = arith.constant 8192 : i32
    %dma_start3A_73 = tpu.memref_slice %arg9[%dma_start3A_72] : memref<16384xf32, #tpu.memory_space<vmem>> -> memref<8192xf32, #tpu.memory_space<vmem>>
    %dma_start3A_74 = arith.constant 8192 : i32
    %dma_start3A_75 = tpu.memref_slice %arg4[%add3A_71, %dma_start3A_74] : memref<64x16384xf32, #tpu.memory_space<hbm>> -> memref<1x8192xf32, #tpu.memory_space<hbm>>
    %dma_start3A_76 = tpu.memref_squeeze %dma_start3A_75 : memref<1x8192xf32, #tpu.memory_space<hbm>> -> memref<8192xf32, #tpu.memory_space<hbm>>
    %dma_start3A_77 = arith.constant 8192 : i32
    %dma_start3A_78 = tpu.memref_slice %arg4[%add3A_71, %dma_start3A_77] : memref<64x16384xf32, #tpu.memory_space<hbm>> -> memref<1x8192xf32, #tpu.memory_space<hbm>>
    %dma_start3A_79 = tpu.memref_squeeze %dma_start3A_78 : memref<1x8192xf32, #tpu.memory_space<hbm>> -> memref<8192xf32, #tpu.memory_space<hbm>>
    %dma_start3A_80 = arith.constant 8192 : i32
    %dma_start3A_81 = tpu.memref_slice %arg9[%dma_start3A_80] : memref<16384xf32, #tpu.memory_space<vmem>> -> memref<8192xf32, #tpu.memory_space<vmem>>
    tpu.enqueue_dma source(%dma_start3A_81 : memref<8192xf32, #tpu.memory_space<vmem>>) target(%dma_start3A_79 : memref<8192xf32, #tpu.memory_space<hbm>>) target_semaphore(%arg12 : memref<!tpu.dma_semaphore, #tpu.memory_space<semaphore_mem>>)
    %dma_wait3A_82 = arith.constant 0 : i32
    %dma_wait3A_83 = tpu.memref_slice %arg8[%dma_wait3A_82] : memref<16384xf32, #tpu.memory_space<vmem>> -> memref<8192xf32, #tpu.memory_space<vmem>>
    %dma_wait3A_84 = arith.constant 0 : i32
    %dma_wait3A_85 = tpu.memref_slice %arg4[%add3A_32, %dma_wait3A_84] : memref<64x16384xf32, #tpu.memory_space<hbm>> -> memref<1x8192xf32, #tpu.memory_space<hbm>>
    %dma_wait3A_86 = tpu.memref_squeeze %dma_wait3A_85 : memref<1x8192xf32, #tpu.memory_space<hbm>> -> memref<8192xf32, #tpu.memory_space<hbm>>
    %dma_wait3A_87 = arith.constant 0 : i32
    %dma_wait3A_88 = tpu.memref_slice %arg4[%add3A_32, %dma_wait3A_87] : memref<64x16384xf32, #tpu.memory_space<hbm>> -> memref<1x8192xf32, #tpu.memory_space<hbm>>
    %dma_wait3A_89 = tpu.memref_squeeze %dma_wait3A_88 : memref<1x8192xf32, #tpu.memory_space<hbm>> -> memref<8192xf32, #tpu.memory_space<hbm>>
    %dma_wait3A_90 = arith.constant 0 : i32
    %dma_wait3A_91 = tpu.memref_slice %arg8[%dma_wait3A_90] : memref<16384xf32, #tpu.memory_space<vmem>> -> memref<8192xf32, #tpu.memory_space<vmem>>
    tpu.wait_dma2 semaphore(%arg12 : memref<!tpu.dma_semaphore, #tpu.memory_space<semaphore_mem>>) src(%dma_wait3A_91 : memref<8192xf32, #tpu.memory_space<vmem>>) dst(%dma_wait3A_89 : memref<8192xf32, #tpu.memory_space<hbm>>)
    %dma_wait3A_92 = arith.constant 0 : i32
    %dma_wait3A_93 = tpu.memref_slice %arg9[%dma_wait3A_92] : memref<16384xf32, #tpu.memory_space<vmem>> -> memref<8192xf32, #tpu.memory_space<vmem>>
    %dma_wait3A_94 = arith.constant 0 : i32
    %dma_wait3A_95 = tpu.memref_slice %arg4[%add3A_44, %dma_wait3A_94] : memref<64x16384xf32, #tpu.memory_space<hbm>> -> memref<1x8192xf32, #tpu.memory_space<hbm>>
    %dma_wait3A_96 = tpu.memref_squeeze %dma_wait3A_95 : memref<1x8192xf32, #tpu.memory_space<hbm>> -> memref<8192xf32, #tpu.memory_space<hbm>>
    %dma_wait3A_97 = arith.constant 0 : i32
    %dma_wait3A_98 = tpu.memref_slice %arg4[%add3A_44, %dma_wait3A_97] : memref<64x16384xf32, #tpu.memory_space<hbm>> -> memref<1x8192xf32, #tpu.memory_space<hbm>>
    %dma_wait3A_99 = tpu.memref_squeeze %dma_wait3A_98 : memref<1x8192xf32, #tpu.memory_space<hbm>> -> memref<8192xf32, #tpu.memory_space<hbm>>
    %dma_wait3A_100 = arith.constant 0 : i32
    %dma_wait3A_101 = tpu.memref_slice %arg9[%dma_wait3A_100] : memref<16384xf32, #tpu.memory_space<vmem>> -> memref<8192xf32, #tpu.memory_space<vmem>>
    tpu.wait_dma2 semaphore(%arg12 : memref<!tpu.dma_semaphore, #tpu.memory_space<semaphore_mem>>) src(%dma_wait3A_101 : memref<8192xf32, #tpu.memory_space<vmem>>) dst(%dma_wait3A_99 : memref<8192xf32, #tpu.memory_space<hbm>>)
    %dma_wait3A_102 = arith.constant 8192 : i32
    %dma_wait3A_103 = tpu.memref_slice %arg8[%dma_wait3A_102] : memref<16384xf32, #tpu.memory_space<vmem>> -> memref<8192xf32, #tpu.memory_space<vmem>>
    %dma_wait3A_104 = arith.constant 8192 : i32
    %dma_wait3A_105 = tpu.memref_slice %arg4[%add3A_59, %dma_wait3A_104] : memref<64x16384xf32, #tpu.memory_space<hbm>> -> memref<1x8192xf32, #tpu.memory_space<hbm>>
    %dma_wait3A_106 = tpu.memref_squeeze %dma_wait3A_105 : memref<1x8192xf32, #tpu.memory_space<hbm>> -> memref<8192xf32, #tpu.memory_space<hbm>>
    %dma_wait3A_107 = arith.constant 8192 : i32
    %dma_wait3A_108 = tpu.memref_slice %arg4[%add3A_59, %dma_wait3A_107] : memref<64x16384xf32, #tpu.memory_space<hbm>> -> memref<1x8192xf32, #tpu.memory_space<hbm>>
    %dma_wait3A_109 = tpu.memref_squeeze %dma_wait3A_108 : memref<1x8192xf32, #tpu.memory_space<hbm>> -> memref<8192xf32, #tpu.memory_space<hbm>>
    %dma_wait3A_110 = arith.constant 8192 : i32
    %dma_wait3A_111 = tpu.memref_slice %arg8[%dma_wait3A_110] : memref<16384xf32, #tpu.memory_space<vmem>> -> memref<8192xf32, #tpu.memory_space<vmem>>
    tpu.wait_dma2 semaphore(%arg12 : memref<!tpu.dma_semaphore, #tpu.memory_space<semaphore_mem>>) src(%dma_wait3A_111 : memref<8192xf32, #tpu.memory_space<vmem>>) dst(%dma_wait3A_109 : memref<8192xf32, #tpu.memory_space<hbm>>)
    %dma_wait3A_112 = arith.constant 8192 : i32
    %dma_wait3A_113 = tpu.memref_slice %arg9[%dma_wait3A_112] : memref<16384xf32, #tpu.memory_space<vmem>> -> memref<8192xf32, #tpu.memory_space<vmem>>
    %dma_wait3A_114 = arith.constant 8192 : i32
    %dma_wait3A_115 = tpu.memref_slice %arg4[%add3A_71, %dma_wait3A_114] : memref<64x16384xf32, #tpu.memory_space<hbm>> -> memref<1x8192xf32, #tpu.memory_space<hbm>>
    %dma_wait3A_116 = tpu.memref_squeeze %dma_wait3A_115 : memref<1x8192xf32, #tpu.memory_space<hbm>> -> memref<8192xf32, #tpu.memory_space<hbm>>
    %dma_wait3A_117 = arith.constant 8192 : i32
    %dma_wait3A_118 = tpu.memref_slice %arg4[%add3A_71, %dma_wait3A_117] : memref<64x16384xf32, #tpu.memory_space<hbm>> -> memref<1x8192xf32, #tpu.memory_space<hbm>>
    %dma_wait3A_119 = tpu.memref_squeeze %dma_wait3A_118 : memref<1x8192xf32, #tpu.memory_space<hbm>> -> memref<8192xf32, #tpu.memory_space<hbm>>
    %dma_wait3A_120 = arith.constant 8192 : i32
    %dma_wait3A_121 = tpu.memref_slice %arg9[%dma_wait3A_120] : memref<16384xf32, #tpu.memory_space<vmem>> -> memref<8192xf32, #tpu.memory_space<vmem>>
    tpu.wait_dma2 semaphore(%arg12 : memref<!tpu.dma_semaphore, #tpu.memory_space<semaphore_mem>>) src(%dma_wait3A_121 : memref<8192xf32, #tpu.memory_space<vmem>>) dst(%dma_wait3A_119 : memref<8192xf32, #tpu.memory_space<hbm>>)
    return
  }
}

</mosaic_0001>

<sc_bundles>
// kernel: kernel.3.cloned.1.call-start
scs
__scs_entry_jumppad:
0x0: {  	(pc) =	sbr.rel $0x88, $3  }
0x1: {  	(tag) =	ssettag $0x0;
	lr =	simm.s32 $0x1  }
0x2: {  	[smem:$0x3F9F] =	sst lr;
	_ =	strace $0xD0000000  }
0x3: {  	_ = 	snop  }
0x4: {  	_ = 	snop  }
0x5: {  	_ = 	snop  }
0x6: {  	_ = 	snop  }
0x7: {  	_ = 	snop  }
__scs_overlays_trampoline_lowered:
0x8: {  	[smem:$0x3FAE] =	sst s0  }
0x9: {  	[smem:$0x3FAF] =	sst s1  }
0xa: {  	[smem:$0x3FB0] =	sst s2  }
0xb: {  	[smem:$0x3FB1] =	sst s3  }
0xc: {  	[smem:$0x3FB2] =	sst s4  }
0xd: {  	[smem:$0x3FB3] =	sst s5  }
0xe: {  	[smem:$0x3FB4] =	sst s6  }
0xf: {  	[smem:$0x3FB5] =	sst s7  }
0x10: {  	[smem:$0x3FB6] =	sst s8  }
0x11: {  	[smem:$0x3FB7] =	sst s9;
	s0 =	simm.s32 @!p0 $0x0  }
0x12: {  	s1 =	sld [smem:$0x3F9D];
	s0 =	simm.s32 @p0 $0x1  }
0x13: {  	[smem:$0x3FB8] =	sst s0;
	s0 =	simm.s32 @!p1 $0x0  }
0x14: {  	s2 =	sld [smem:$0x3F9C];
	s0 =	simm.s32 @p1 $0x1  }
0x15: {  	[smem:$0x3FB9] =	sst s0;
	s0 =	simm.s32 @!p2 $0x0  }
0x16: {  	s3 =	sld [smem:$0x3FDB];
	s0 =	simm.s32 @p2 $0x1  }
0x17: {  	s4 =	simm.s32 $0x1BF5;
	[smem:$0x3FBB] =	sst s0  }
0x18: {  	s0 =	sld [smem:$0x3F9E];
	_ =	swait.ge [sflag:s4], $0x0  }
0x19: {  	s7 =	sld [smem:$0x3F9F]  }
0x1a: {  	s8 =	sadd.s32 $0xFFFFE003, lr  }
0x1b: {  	s9 =	sadd.s32 $0xFFFFFEF7, lr;
	s5 =	simm.s32 $0xFFFFFFFF;
	p2 =	slt.u32 s8, $0xFFFFF086  }
0x1c: {  	p1 =	slt.u32 s9, $0xF7A;
	s5 =	simm.s32 @!p2 $0x0  }
0x1d: {  	s5 =	simm.s32 @p1 $0x1;
	p0 =	seq.s32 s7, s2  }
0x1e: {  	s7 =	smul.u32 @!p0 $0xF7A, s2;
	p2 =	seq.s32 @!p0 s5, $0x0  }
0x1f: {  	s9 =	smul.u32 $0xF7A, s1;
	s8 =	simm.s32 @!p0 $0x1BF5;
	p2 =	por !p2, p0  }
0x20: {  	[sflag:s8] =	ssyncset.s32 @!p0 $0xFFFFF086;
	s6 =	sadd.s32 @!p0 s3, s7;
	s7 =	simm.s32 @!p0 $0x108  }
0x21: {  	s3 =	sadd.s32 s3, s9;
	s6 =	sadd.s32 @!p0 $0x88, s6;
	s7 =	simm.s32 @p2 $0x1082  }
0x22: {  	[simem:s7], [sflag:s8] =	dma.local @!p0 [hbm:s6], $0xF7A  }
0x23: {  	s9 =	sor.u32 $0xD0000000, s2;
	s6 =	simm.s32 $0x108;
	_ =	swait.ge @!p0 [sflag:s8], $0x0  }
0x24: {  	s3 =	sadd.s32 $0x88, s3;
	s6 =	simm.s32 @!p1 $0x1082;
	[sflag:s4] =	ssyncset.s32 $0xFFFFF086  }
0x25: {  	[simem:s6], [sflag:s4] =	dma.local [hbm:s3], $0xF7A  }
0x26: {  	[smem:$0x3F9F] =	sst s1;
	(tag) =	ssettag s2;
	_ =	strace s9  }
0x27: {  	s1 =	sld [smem:$0x3FAF]  }
0x28: {  	s2 =	sld [smem:$0x3FB0]  }
0x29: {  	s4 =	sld [smem:$0x3FB2]  }
0x2a: {  	p0 =	seq.s32 s5, $0x0;
	s5 =	sld [smem:$0x3FB3]  }
0x2b: {  	s6 =	sld [smem:$0x3FB4]  }
0x2c: {  	s7 =	sld [smem:$0x3FB5]  }
0x2d: {  	s3 =	simm.s32 $0x108;
	s8 =	sld [smem:$0x3FB6]  }
0x2e: {  	s3 =	simm.s32 @!p0 $0x1082;
	s9 =	sld [smem:$0x3FB7]  }
0x2f: {  	lr =	sadd.s32 s0, s3;
	s0 =	sld [smem:$0x3FAE]  }
0x30: {  	s3 =	sld [smem:$0x3FB1]  }
0x31: {  	[smem:$0x3FBA] =	sst s10  }
0x32: {  	s10 =	sld [smem:$0x3FB8];
	_ =	sdelay $0x3  }
0x33: {  	p0 =	seq.s32 s10, $0x1;
	s10 =	sld [smem:$0x3FBA];
	_ =	sdelay $0x3  }
0x34: {  	[smem:$0x3FBA] =	sst s10  }
0x35: {  	s10 =	sld [smem:$0x3FB9];
	_ =	sdelay $0x3  }
0x36: {  	p1 =	seq.s32 s10, $0x1;
	s10 =	sld [smem:$0x3FBA];
	_ =	sdelay $0x3  }
0x37: {  	[smem:$0x3FBA] =	sst s10  }
0x38: {  	s10 =	sld [smem:$0x3FBB]  }
0x39: {  	_ = 	snop;
	(pc) =	sbr.ind lr, $3  }
0x3a: {  	_ = 	snop  }
0x3b: {  	_ = 	snop  }
0x3c: {  	p2 =	seq.s32 s10, $0x1;
	s10 =	sld [smem:$0x3FBA]  }
0x3d: {  	_ =	shalt  }
0x3e: {  	_ =	shalt  }
0x3f: {  	_ =	shalt  }
0x40: {  	_ =	shalt  }
0x41: {  	_ =	shalt  }
0x42: {  	_ =	shalt  }
0x43: {  	_ =	shalt  }
0x44: {  	_ =	shalt  }
0x45: {  	_ =	shalt  }
0x46: {  	_ =	shalt  }
0x47: {  	_ =	shalt  }
0x48: {  	_ =	shalt  }
0x49: {  	_ =	shalt  }
0x4a: {  	_ =	shalt  }
0x4b: {  	_ =	shalt  }
0x4c: {  	_ =	shalt  }
0x4d: {  	_ =	shalt  }
0x4e: {  	_ =	shalt  }
0x4f: {  	_ =	shalt  }
0x50: {  	_ =	shalt  }
0x51: {  	_ =	shalt  }
0x52: {  	_ =	shalt  }
0x53: {  	_ =	shalt  }
0x54: {  	_ =	shalt  }
0x55: {  	_ =	shalt  }
0x56: {  	_ =	shalt  }
0x57: {  	_ =	shalt  }
0x58: {  	_ =	shalt  }
0x59: {  	_ =	shalt  }
0x5a: {  	_ =	shalt  }
0x5b: {  	_ =	shalt  }
0x5c: {  	_ =	shalt  }
0x5d: {  	_ =	shalt  }
0x5e: {  	_ =	shalt  }
0x5f: {  	_ =	shalt  }
0x60: {  	_ =	shalt  }
0x61: {  	_ =	shalt  }
0x62: {  	_ =	shalt  }
0x63: {  	_ =	shalt  }
0x64: {  	_ =	shalt  }
0x65: {  	_ =	shalt  }
0x66: {  	_ =	shalt  }
0x67: {  	_ =	shalt  }
0x68: {  	_ =	shalt  }
0x69: {  	_ =	shalt  }
0x6a: {  	_ =	shalt  }
0x6b: {  	_ =	shalt  }
0x6c: {  	_ =	shalt  }
0x6d: {  	_ =	shalt  }
0x6e: {  	_ =	shalt  }
0x6f: {  	_ =	shalt  }
0x70: {  	_ =	shalt  }
0x71: {  	_ =	shalt  }
0x72: {  	_ =	shalt  }
0x73: {  	_ =	shalt  }
0x74: {  	_ =	shalt  }
0x75: {  	_ =	shalt  }
0x76: {  	_ =	shalt  }
0x77: {  	_ =	shalt  }
0x78: {  	_ =	shalt  }
0x79: {  	_ =	shalt  }
0x7a: {  	_ =	shalt  }
0x7b: {  	_ =	shalt  }
0x7c: {  	_ =	shalt  }
0x7d: {  	_ =	shalt  }
0x7e: {  	_ =	shalt  }
0x7f: {  	_ =	shalt  }
0x80: {  	_ =	shalt  }
0x81: {  	_ =	shalt  }
0x82: {  	_ =	shalt  }
0x83: {  	_ =	shalt  }
0x84: {  	_ =	shalt  }
0x85: {  	_ =	shalt  }
0x86: {  	_ =	shalt  }
0x87: {  	_ =	shalt  }
.Lfunc_end0:
.L_simem_size_0:
called_computation_lowered:
.L_overlay_start_0:
0x88: {  	s2 =	sld [smem:$0x3FD9]  }
0x89: {  	s3 =	sld [smem:$0x3FFE];
	_ =	sdelay $0x1  }
0x8a: {  	s1 =	srdreg.scid  }
0x8b: {  	s0 =	sand.u32 $0x1, s1  }
0x8c: {  	s18 =	sshll.u32 s0, $0xA;
	s2 =	sadd.s32 s3, s2  }
0x8d: {  	s2 =	sadd.s32 s2, s18  }
0x8e: {  	[smem:$0x3FC6] =	sst s2  }
0x8f: {  	_ = 	snop  }
0x90: {  	s2 =	sld [smem:$0x3FC9]  }
0x91: {  	s19 =	sld [smem:$0x3FC8]  }
0x92: {  	s4 =	sld [smem:$0x3FD0];
	(tm) =	ssettm $0x1  }
0x93: {  	s5 =	sld [smem:$0x3FFB];
	_ =	sdelay $0x3  }
0x94: {  	_ =	strace s5  }
0x95: {  	s5 =	sld [smem:$0x3FFC];
	_ =	sdelay $0x3  }
0x96: {  	_ =	strace s5  }
0x97: {  	s5 =	sld [smem:$0x3FFD];
	_ =	sdelay $0x3  }
0x98: {  	_ =	strace s5  }
0x99: {  	_ =	strace $0x8FFFFFFF  }
0x9a: {  	s20 =	sld [smem:$0x3FDB];
	_ =	sdelay $0x1  }
0x9b: {  	s6 =	simm.s32 $_scs_section_size  }
0x9c: {  	s7 =	simm.s32 $_size__tile_overlayer_lowered;
	s8 =	simm.s32 $_tile_overlayer_lowered  }
0x9d: {  	s23 =	simm.s32 $0x1BFF;
	s22 =	sshll.u32 s8, $0x1;
	s5 =	sadd.s32 s6, s20  }
0x9e: {  	s9 =	simm.s32 $0x0;
	s21 =	sshll.u32 s7, $0x1;
	s7 =	sadd.s32 s22, s5  }
0x9f: {  	[timem:s9], [sflag:s23] =	dma.local [hbm:s7], s21  }
0xa0: {  	_ =	swait.ge [sflag:s23], s21  }
0xa1: {  	s6 =	ssub.s32 $0x0, s21;
	[sflag:s23] =	ssyncset.done $0x0  }
0xa2: {  	[sflag:s23] =	ssyncadd.s32 s6;
	_ =	sdelay $0x1  }
0xa3: {  	s24 =	simm.s32 $0x1B8B  }
0xa4: {  	_ =	swait.ge [sflag:s24], $0x1  }
0xa5: {  	[sflag:s24] =	ssyncset.done $0x0  }
0xa6: {  	s25 =	simm.s32 $0x1B8E;
	[sflag:s24] =	ssyncadd.s32 $0xFFFFFFFF  }
0xa7: {  	s26 =	simm.s32 $execute0_lowered;
	[smem:$0x3FD2] =	sst s25  }
0xa8: {  	s6 =	sshll.u32 s26, $0x1;
	_ =	strace $0x80000046;
	[dreg:$0x1] =	wrdreg $0xFFFFFFFF  }
0xa9: {  	s28 =	simm.s32 $_size_execute0_lowered;
	s5 =	sadd.s32 s5, s6;
	[dreg:$0x0] =	wrdreg $0x0  }
0xaa: {  	s6 =	sshll.u32 s28, $0x1;
	[dreg:$0x2] =	wrdreg s5  }
0xab: {  	[dreg:$0x3] =	wrdreg s6  }
0xac: {  	[dreg:$0x4] =	wrdreg $0xC0  }
0xad: {  	_ =	task [dreg:s9], $0x5FFFF  }
0xae: {  	[dreg:$0x1] =	wrdreg $0xFFFFFFFF  }
0xaf: {  	[dreg:$0x0] =	wrdreg $0x60  }
0xb0: {  	[dreg:$0x2] =	wrdreg s2  }
0xb1: {  	[dreg:$0x3] =	wrdreg s19  }
0xb2: {  	[dreg:$0x4] =	wrdreg s4  }
0xb3: {  	[dreg:$0x5] =	wrdreg $0x9  }
0xb4: {  	_ =	task.clear_ibuf [dreg:s9], $0x6FFFF;
	_ =	strace $0x90000046  }
0xb5: {  	s29 =	simm.s32 $0x9;
	_ =	strace $0x80000048  }
0xb6: {  	_ =	swait.ge [sflag:s29], $0x1  }
0xb7: {  	[sflag:s29] =	ssyncadd.s32 $0xFFFFFFFF  }
0xb8: {  	_ =	strace $0x90000048  }
0xb9: {  	_ =	sfence  }
0xba: {  	s30 =	sld [smem:$0x0];
	_ =	sdelay $0x2  }
0xbb: {  	s31 =	sshll.u32 s1, $0xD;
	s1 =	sshrl.u32 s1, $0x2  }
0xbc: {  	s3 =	sand.u32 $0x4000, s31;
	s1 =	sadd.s32 s1, s30  }
0xbd: {  	s0 =	sor.u32 s3, s0;
	s1 =	sshll.u32 s1, $0x11  }
0xbe: {  	s0 =	sor.u32 s1, s0  }
0xbf: {  	s0 =	sadd.s32 $0x8F2B, s0  }
0xc0: {  	[sflag:s0] =	ssyncadd.remote.s32 $0x1  }
0xc1: {  	_ =	sfence.sel $0xFFFF  }
0xc2: {  	[dreg:$0x0] =	wrdreg $0xFFFFFFFF;
	(pc) =	sbr.abs _section_cstart, $3  }
0xc3: {  	[dreg:$0x1] =	wrdreg $0xFFFFFFFF  }
0xc4: {  	_ =	task.clear_ibuf [dreg:s9], $0x2FFFF;
	_ =	strace $0x9FFFFFFF  }
0xc5: {  	(tm) =	ssettm $0x7FFFFFFF  }
tec
execute0_lowered:
.L_overlay_start_1:
0x0: {  	(tag) =	ssettag $0x1  }
0x1: {  	s5 =	rddreg [dreg:$0x0]  }
0x2: {  	s2 =	rddreg [dreg:$0x1]  }
0x3: {  	s8 =	rddreg [dreg:$0x2]  }
0x4: {  	s3 =	srdreg.scid;
	s1 =	stileid.u32  }
0x5: {  	s0 =	rddreg [dreg:$0x3];
	s13 =	simm.s32 $0x4000;
	s14 =	simm.s32 $0x8000  }
0x6: {  	s15 =	simm.s32 $0x1;
	s16 =	simm.s32 $0x2;
	s17 =	simm.s32 $0xC000  }
0x7: {  	s18 =	simm.s32 $0x10000;
	s19 =	simm.s32 $0xE000;
	s20 =	simm.s32 $0x12000  }
0x8: {  	s21 =	simm.s32 $0x3;
	s22 =	simm.s32 $0x0;
	s4 =	sand.u32 $0x1, s3  }
0x9: {  	s30 =	sshll.u32 s1, $0x6;
	s7 =	sshll.u32 s1, $0xD;
	s3 =	simm.s32 $0x0  }
0xa: {  	s12 =	sadd.s32 $0x2000, s8;
	s6 =	sshll.u32 s4, $0x5;
	s9 =	sand.u32 $0x40, s30  }
0xb: {  	s7 =	sand.u32 $0x1C000, s7;
	s4 =	ssub.s32 $0x2, s4;
	s6 =	sor.u32 s6, s9  }
0xc: {  	[smem:$0x7FF] =	sst s3;
	s31 =	sshrl.u32 s4, $0x1;
	s9 =	sor.u32 s7, s6  }
0xd: {  	_ =	strace $0x80000047;
	s11 =	ssub.s32 s4, s31;
	s10 =	sor.u32 $0x10, s9  }
0xe: {  	s4 =	sadd.s32 s5, s9;
	s6 =	sadd.s32 s8, s9;
	s5 =	sadd.s32 s5, s10  }
0xf: {  	s7 =	sadd.s32 s8, s10;
	s8 =	sadd.s32 s9, s12;
	s9 =	sadd.s32 s10, s12  }
0x10: {  	s10 =	smax.u32 s11, $0x1;
	s11 =	simm.s32 $0x80;
	s12 =	simm.s32 $0x400  }
.LBB2_1:
0x11: {  	[tilespmem:s3], [sflag:$0x1] =	stream.linear.gather [hbm4b:s2+s3], $0x4000, $0x38;
	[tilespmem:$0x14000] =	vst v63  }
0x12: {  	_ = 	snop  }
0x13: {  	[tilespmem:s13], [sflag:$0x2] =	stream.strided.gather [hbm4b:s4+s11], $0x4000, s12, s11, $0x38;
	[tilespmem:$0x14000] =	vst v63  }
0x14: {  	_ = 	snop  }
0x15: {  	[tilespmem:s14], [sflag:$0x2] =	stream.strided.gather [hbm4b:s5+s11], $0x4000, s12, s11, $0x38;
	[tilespmem:$0x14000] =	vst v63  }
0x16: {  	_ =	swait.ge [sflag:s15], $0x4000  }
0x17: {  	[sflag:s15] =	ssyncset.done $0x0  }
0x18: {  	[sflag:s15] =	ssyncadd.s32 $0xFFFFC000  }
0x19: {  	_ =	swait.ge [sflag:s16], $0x4000  }
0x1a: {  	[sflag:s16] =	ssyncset.done $0x0  }
0x1b: {  	[sflag:s16] =	ssyncadd.s32 $0xFFFFC000  }
0x1c: {  	_ =	swait.ge [sflag:s16], $0x4000  }
0x1d: {  	[sflag:s16] =	ssyncset.done $0x0  }
0x1e: {  	s23 =	simm.s32 $0x40;
	[sflag:s16] =	ssyncadd.s32 $0xFFFFC000  }
0x1f: {  	v0 =	vld [tilespmem:s23+$0x30]  }
0x20: {  	v1 =	vld [tilespmem:s23+$0xFFFFFFD0]  }
0x21: {  	v2 =	vld [tilespmem:s23+$0xFFFFFFE0]  }
0x22: {  	v3 =	vld [tilespmem:s23+$0xFFFFFFF0]  }
0x23: {  	v4 =	vld [tilespmem:s23+$0x0]  }
0x24: {  	v5 =	vld [tilespmem:s23+$0x10]  }
0x25: {  	v6 =	vld [tilespmem:s23+$0x20]  }
0x26: {  	v7 =	vld [tilespmem:s23+$0xFFFFFFC0]  }
0x27: {  	v8 =	vld.idx.msk [tilespmem:v0+s13+$0x0], $0xffff  }
0x28: {  	v9 =	vld.idx.msk [tilespmem:v1+s13+$0x0], $0xffff  }
0x29: {  	v10 =	vld.idx.msk [tilespmem:v2+s13+$0x0], $0xffff  }
0x2a: {  	v11 =	vld.idx.msk [tilespmem:v3+s13+$0x0], $0xffff  }
0x2b: {  	v12 =	vld.idx.msk [tilespmem:v4+s13+$0x0], $0xffff  }
0x2c: {  	s23 =	simm.s32 $0xC040;
	v13 =	vld.idx.msk [tilespmem:v5+s13+$0x0], $0xffff  }
0x2d: {  	v14 =	vld.idx.msk [tilespmem:v6+s13+$0x0], $0xffff;
	[tilespmem:s23+$0x30] =	vst v8  }
0x2e: {  	v62 =	vld.idx.msk [tilespmem:v7+s13+$0x0], $0xffff;
	[tilespmem:s23+$0xFFFFFFD0] =	vst v9  }
0x2f: {  	[tilespmem:s23+$0xFFFFFFE0] =	vst v10;
	v8 =	vld.idx.msk [tilespmem:v0+s14+$0x0], $0xffff  }
0x30: {  	[tilespmem:s23+$0xFFFFFFF0] =	vst v11;
	v63 =	vld.idx.msk [tilespmem:v1+s14+$0x0], $0xffff  }
0x31: {  	[tilespmem:s23+$0x0] =	vst v12;
	v0 =	vld.idx.msk [tilespmem:v2+s14+$0x0], $0xffff  }
0x32: {  	[tilespmem:s23+$0x10] =	vst v13;
	v1 =	vld.idx.msk [tilespmem:v3+s14+$0x0], $0xffff  }
0x33: {  	[tilespmem:s23+$0x20] =	vst v14;
	v2 =	vld.idx.msk [tilespmem:v4+s14+$0x0], $0xffff  }
0x34: {  	s24 =	simm.s32 $0x10040;
	[tilespmem:s23+$0xFFFFFFC0] =	vst v62;
	v3 =	vld.idx.msk [tilespmem:v5+s14+$0x0], $0xffff  }
0x35: {  	v4 =	vld.idx.msk [tilespmem:v6+s14+$0x0], $0xffff;
	[tilespmem:s24+$0x30] =	vst v8  }
0x36: {  	s25 =	simm.s32 $0x0;
	s26 =	simm.s32 $0xC0;
	v5 =	vld.idx.msk [tilespmem:v7+s14+$0x0], $0xffff;
	[tilespmem:s24+$0xFFFFFFD0] =	vst v63  }
.LBB2_2:
0x37: {  	v6 =	vld [tilespmem:s26+$0x30];
	s25 =	sadd.s32 $0x8, s25;
	[tilespmem:s24+$0xFFFFFFE0] =	vst v0  }
0x38: {  	v0 =	vld [tilespmem:s26+$0xFFFFFFD0];
	p0 =	slt.u32 s25, $0x1F8;
	[tilespmem:s24+$0xFFFFFFF0] =	vst v1  }
0x39: {  	v1 =	vld [tilespmem:s26+$0xFFFFFFE0];
	[tilespmem:s24+$0x0] =	vst v2  }
0x3a: {  	v2 =	vld [tilespmem:s26+$0xFFFFFFF0];
	[tilespmem:s24+$0x10] =	vst v3  }
0x3b: {  	v3 =	vld [tilespmem:s26+$0x0];
	[tilespmem:s24+$0x20] =	vst v4  }
0x3c: {  	v4 =	vld [tilespmem:s26+$0x10];
	[tilespmem:s24+$0xFFFFFFC0] =	vst v5  }
0x3d: {  	v5 =	vld [tilespmem:s26+$0x20]  }
0x3e: {  	v7 =	vld [tilespmem:s26+$0xFFFFFFC0]  }
0x3f: {  	v8 =	vld.idx.msk [tilespmem:v6+s13+$0x0], $0xffff  }
0x40: {  	v9 =	vld.idx.msk [tilespmem:v0+s13+$0x0], $0xffff  }
0x41: {  	v10 =	vld.idx.msk [tilespmem:v1+s13+$0x0], $0xffff  }
0x42: {  	v11 =	vld.idx.msk [tilespmem:v2+s13+$0x0], $0xffff  }
0x43: {  	v12 =	vld.idx.msk [tilespmem:v3+s13+$0x0], $0xffff  }
0x44: {  	s23 =	sadd.s32 $0x80, s23;
	v13 =	vld.idx.msk [tilespmem:v4+s13+$0x0], $0xffff  }
0x45: {  	v14 =	vld.idx.msk [tilespmem:v5+s13+$0x0], $0xffff;
	[tilespmem:s23+$0x30] =	vst v8  }
0x46: {  	[tilespmem:s23+$0xFFFFFFD0] =	vst v9;
	v6 =	vld.idx.msk [tilespmem:v6+s14+$0x0], $0xffff  }
0x47: {  	v8 =	vld.idx.msk [tilespmem:v7+s13+$0x0], $0xffff;
	[tilespmem:s23+$0xFFFFFFE0] =	vst v10  }
0x48: {  	v9 =	vld.idx.msk [tilespmem:v0+s14+$0x0], $0xffff;
	[tilespmem:s23+$0xFFFFFFF0] =	vst v11  }
0x49: {  	v0 =	vld.idx.msk [tilespmem:v1+s14+$0x0], $0xffff;
	[tilespmem:s23+$0x0] =	vst v12  }
.Ltmp0:
0x4a: {  	v1 =	vld.idx.msk [tilespmem:v2+s14+$0x0], $0xffff;
	[tilespmem:s23+$0x10] =	vst v13;
	(pc) =	sbr.rel @p0 .LBB2_2-.Ltmp0, $4  }
0x4b: {  	s24 =	sadd.s32 $0x80, s24;
	v2 =	vld.idx.msk [tilespmem:v3+s14+$0x0], $0xffff;
	[tilespmem:s23+$0x20] =	vst v14  }
0x4c: {  	v3 =	vld.idx.msk [tilespmem:v4+s14+$0x0], $0xffff;
	[tilespmem:s24+$0x30] =	vst v6  }
0x4d: {  	[tilespmem:s23+$0xFFFFFFC0] =	vst v8;
	v4 =	vld.idx.msk [tilespmem:v5+s14+$0x0], $0xffff  }
0x4e: {  	s26 =	sadd.s32 $0x80, s26;
	v5 =	vld.idx.msk [tilespmem:v7+s14+$0x0], $0xffff;
	[tilespmem:s24+$0xFFFFFFD0] =	vst v9  }
0x4f: {  	[tilespmem:s24+$0xFFFFFFE0] =	vst v0  }
0x50: {  	[tilespmem:s24+$0xFFFFFFF0] =	vst v1  }
0x51: {  	[tilespmem:s24+$0x0] =	vst v2  }
0x52: {  	[tilespmem:s24+$0x10] =	vst v3  }
0x53: {  	[tilespmem:s24+$0x20] =	vst v4  }
0x54: {  	[tilespmem:s24+$0xFFFFFFC0] =	vst v5  }
0x55: {  	[hbm4b:s6+s11] =	stream.strided.scatter [tilespmem:s17], [sflag:$0x3], $0x2000, s12, s11, $0x38;
	[tilespmem:$0x14000] =	vst v63  }
0x56: {  	s23 =	simm.s32 $0x2070  }
0x57: {  	[hbm4b:s7+s11] =	stream.strided.scatter [tilespmem:s18], [sflag:$0x3], $0x2000, s12, s11, $0x38;
	[tilespmem:$0x14000] =	vst v63  }
0x58: {  	v0 =	vld [tilespmem:s23+$0x0]  }
0x59: {  	v1 =	vld [tilespmem:s23+$0xFFFFFFA0]  }
0x5a: {  	v2 =	vld [tilespmem:s23+$0xFFFFFFB0]  }
0x5b: {  	v3 =	vld [tilespmem:s23+$0xFFFFFFC0]  }
0x5c: {  	v4 =	vld [tilespmem:s23+$0xFFFFFFD0]  }
0x5d: {  	v5 =	vld [tilespmem:s23+$0xFFFFFFE0]  }
0x5e: {  	v6 =	vld [tilespmem:s23+$0xFFFFFFF0]  }
0x5f: {  	v7 =	vld [tilespmem:s23+$0xFFFFFF90]  }
0x60: {  	v8 =	vld.idx.msk [tilespmem:v0+s13+$0x0], $0xffff  }
0x61: {  	v9 =	vld.idx.msk [tilespmem:v1+s13+$0x0], $0xffff  }
0x62: {  	v10 =	vld.idx.msk [tilespmem:v2+s13+$0x0], $0xffff  }
0x63: {  	v11 =	vld.idx.msk [tilespmem:v3+s13+$0x0], $0xffff  }
0x64: {  	v12 =	vld.idx.msk [tilespmem:v4+s13+$0x0], $0xffff  }
0x65: {  	s23 =	simm.s32 $0xE070;
	v13 =	vld.idx.msk [tilespmem:v5+s13+$0x0], $0xffff  }
0x66: {  	v14 =	vld.idx.msk [tilespmem:v6+s13+$0x0], $0xffff;
	[tilespmem:s23+$0x0] =	vst v8  }
0x67: {  	v62 =	vld.idx.msk [tilespmem:v7+s13+$0x0], $0xffff;
	[tilespmem:s23+$0xFFFFFFA0] =	vst v9  }
0x68: {  	[tilespmem:s23+$0xFFFFFFB0] =	vst v10;
	v8 =	vld.idx.msk [tilespmem:v0+s14+$0x0], $0xffff  }
0x69: {  	[tilespmem:s23+$0xFFFFFFC0] =	vst v11;
	v63 =	vld.idx.msk [tilespmem:v1+s14+$0x0], $0xffff  }
0x6a: {  	[tilespmem:s23+$0xFFFFFFD0] =	vst v12;
	v0 =	vld.idx.msk [tilespmem:v2+s14+$0x0], $0xffff  }
0x6b: {  	[tilespmem:s23+$0xFFFFFFE0] =	vst v13;
	v1 =	vld.idx.msk [tilespmem:v3+s14+$0x0], $0xffff  }
0x6c: {  	[tilespmem:s23+$0xFFFFFFF0] =	vst v14;
	v2 =	vld.idx.msk [tilespmem:v4+s14+$0x0], $0xffff  }
0x6d: {  	s24 =	simm.s32 $0x12070;
	[tilespmem:s23+$0xFFFFFF90] =	vst v62;
	v3 =	vld.idx.msk [tilespmem:v5+s14+$0x0], $0xffff  }
0x6e: {  	v4 =	vld.idx.msk [tilespmem:v6+s14+$0x0], $0xffff;
	[tilespmem:s24+$0x0] =	vst v8  }
0x6f: {  	s25 =	simm.s32 $0x200;
	s26 =	simm.s32 $0x20F0;
	v5 =	vld.idx.msk [tilespmem:v7+s14+$0x0], $0xffff;
	[tilespmem:s24+$0xFFFFFFA0] =	vst v63  }
.LBB2_4:
0x70: {  	v6 =	vld [tilespmem:s26+$0x0];
	s25 =	sadd.s32 $0x8, s25;
	[tilespmem:s24+$0xFFFFFFB0] =	vst v0  }
0x71: {  	v0 =	vld [tilespmem:s26+$0xFFFFFFA0];
	p0 =	slt.u32 s25, $0x3F8;
	[tilespmem:s24+$0xFFFFFFC0] =	vst v1  }
0x72: {  	v1 =	vld [tilespmem:s26+$0xFFFFFFB0];
	[tilespmem:s24+$0xFFFFFFD0] =	vst v2  }
0x73: {  	v2 =	vld [tilespmem:s26+$0xFFFFFFC0];
	[tilespmem:s24+$0xFFFFFFE0] =	vst v3  }
0x74: {  	v3 =	vld [tilespmem:s26+$0xFFFFFFD0];
	[tilespmem:s24+$0xFFFFFFF0] =	vst v4  }
0x75: {  	v4 =	vld [tilespmem:s26+$0xFFFFFFE0];
	[tilespmem:s24+$0xFFFFFF90] =	vst v5  }
0x76: {  	v5 =	vld [tilespmem:s26+$0xFFFFFFF0]  }
0x77: {  	v7 =	vld [tilespmem:s26+$0xFFFFFF90]  }
0x78: {  	v8 =	vld.idx.msk [tilespmem:v6+s13+$0x0], $0xffff  }
0x79: {  	v9 =	vld.idx.msk [tilespmem:v0+s13+$0x0], $0xffff  }
0x7a: {  	v10 =	vld.idx.msk [tilespmem:v1+s13+$0x0], $0xffff  }
0x7b: {  	v11 =	vld.idx.msk [tilespmem:v2+s13+$0x0], $0xffff  }
0x7c: {  	v12 =	vld.idx.msk [tilespmem:v3+s13+$0x0], $0xffff  }
0x7d: {  	s23 =	sadd.s32 $0x80, s23;
	v13 =	vld.idx.msk [tilespmem:v4+s13+$0x0], $0xffff  }
0x7e: {  	v14 =	vld.idx.msk [tilespmem:v5+s13+$0x0], $0xffff;
	[tilespmem:s23+$0x0] =	vst v8  }
0x7f: {  	[tilespmem:s23+$0xFFFFFFA0] =	vst v9;
	v6 =	vld.idx.msk [tilespmem:v6+s14+$0x0], $0xffff  }
0x80: {  	v8 =	vld.idx.msk [tilespmem:v7+s13+$0x0], $0xffff;
	[tilespmem:s23+$0xFFFFFFB0] =	vst v10  }
0x81: {  	v9 =	vld.idx.msk [tilespmem:v0+s14+$0x0], $0xffff;
	[tilespmem:s23+$0xFFFFFFC0] =	vst v11  }
0x82: {  	v0 =	vld.idx.msk [tilespmem:v1+s14+$0x0], $0xffff;
	[tilespmem:s23+$0xFFFFFFD0] =	vst v12  }
.Ltmp1:
0x83: {  	v1 =	vld.idx.msk [tilespmem:v2+s14+$0x0], $0xffff;
	[tilespmem:s23+$0xFFFFFFE0] =	vst v13;
	(pc) =	sbr.rel @p0 .LBB2_4-.Ltmp1, $4  }
0x84: {  	s24 =	sadd.s32 $0x80, s24;
	v2 =	vld.idx.msk [tilespmem:v3+s14+$0x0], $0xffff;
	[tilespmem:s23+$0xFFFFFFF0] =	vst v14  }
0x85: {  	v3 =	vld.idx.msk [tilespmem:v4+s14+$0x0], $0xffff;
	[tilespmem:s24+$0x0] =	vst v6  }
0x86: {  	[tilespmem:s23+$0xFFFFFF90] =	vst v8;
	v4 =	vld.idx.msk [tilespmem:v5+s14+$0x0], $0xffff  }
0x87: {  	s26 =	sadd.s32 $0x80, s26;
	v5 =	vld.idx.msk [tilespmem:v7+s14+$0x0], $0xffff;
	[tilespmem:s24+$0xFFFFFFA0] =	vst v9  }
0x88: {  	[tilespmem:s24+$0xFFFFFFB0] =	vst v0  }
0x89: {  	[tilespmem:s24+$0xFFFFFFC0] =	vst v1  }
0x8a: {  	[tilespmem:s24+$0xFFFFFFD0] =	vst v2  }
0x8b: {  	[tilespmem:s24+$0xFFFFFFE0] =	vst v3  }
0x8c: {  	[tilespmem:s24+$0xFFFFFFF0] =	vst v4  }
0x8d: {  	[tilespmem:s24+$0xFFFFFF90] =	vst v5  }
0x8e: {  	[hbm4b:s8+s11] =	stream.strided.scatter [tilespmem:s19], [sflag:$0x3], $0x2000, s12, s11, $0x38;
	[tilespmem:$0x14000] =	vst v63  }
0x8f: {  	_ = 	snop  }
0x90: {  	[hbm4b:s9+s11] =	stream.strided.scatter [tilespmem:s20], [sflag:$0x3], $0x2000, s12, s11, $0x38;
	[tilespmem:$0x14000] =	vst v63  }
0x91: {  	_ =	swait.ge [sflag:s21], $0x2000  }
0x92: {  	[sflag:s21] =	ssyncset.done $0x0  }
0x93: {  	[sflag:s21] =	ssyncadd.s32 $0xFFFFE000  }
0x94: {  	_ =	swait.ge [sflag:s21], $0x2000  }
0x95: {  	[sflag:s21] =	ssyncset.done $0x0  }
0x96: {  	s22 =	sadd.s32 $0x1, s22;
	[sflag:s21] =	ssyncadd.s32 $0xFFFFE000  }
0x97: {  	p0 =	sne.s32 s22, s10;
	_ =	swait.ge [sflag:s21], $0x2000  }
.Ltmp2:
0x98: {  	[sflag:s21] =	ssyncset.done $0x0;
	(pc) =	sbr.rel @p0 .LBB2_1-.Ltmp2, $4  }
0x99: {  	[sflag:s21] =	ssyncadd.s32 $0xFFFFE000  }
0x9a: {  	_ =	swait.ge [sflag:s21], $0x2000  }
0x9b: {  	[sflag:s21] =	ssyncset.done $0x0  }
0x9c: {  	[sflag:s21] =	ssyncadd.s32 $0xFFFFE000  }
0x9d: {  	_ =	sfence.sel $0x180000  }
0x9e: {  	[bflag:$0x0] =	sbarrier.arrive $0xFFFF  }
0x9f: {  	p0 =	sne.s32 s1, $0x0;
	_ =	strace $0x90000047  }
0xa0: {  	s0 =	sadd.s32 @!p0 $0x100000, s0;
	[bflag:$0x2] =	sbarrier.arrive $0xFFFF  }
0xa1: {  	[sflag:s0] =	ssyncadd.tile.s32 @!p0 $0x1;
	_ =	shalt  }
.Lfunc_end2:
_tile_overlayer_lowered:
.L_overlay_start_2:
0xa2: {  	(tag) =	ssettag $0x2  }
0xa3: {  	s0 =	rddreg [dreg:$0x0];
	s2 =	stileid.u32  }
0xa4: {  	s1 =	rddreg [dreg:$0x1];
	p0 =	sne.s32 s2, $0x0  }
0xa5: {  	s3 =	rddreg [dreg:$0x2];
	[bflag:$0x3] =	sbarrier.arrive $0xFFFF;
	s2 =	simm.s32 @!p0 $0x1C04  }
0xa6: {  	[timem:s3], [sflag:s2] =	dma.local @!p0 [hbm:s0], s1  }
0xa7: {  	s0 =	simm.s32 @!p0 $0x4  }
0xa8: {  	_ =	swait.ge @!p0 [sflag:s0], s1  }
0xa9: {  	s1 =	ssub.s32 @!p0 $0x0, s1;
	[sflag:s0] =	ssyncset.done @!p0 $0x0  }
0xaa: {  	[sflag:s0] =	ssyncadd.s32 @!p0 s1  }
0xab: {  	[bflag:$0x3] =	sbarrier.arrive $0xFFFF  }
0xac: {  	_ =	shalt  }

</sc_bundles>
